<compile_context>
chip_gen: v7x
topology: tpu7x:2x2x1
jax: 0.10.2.dev20260603
libtpu: 0.0.44.dev20260713+nightly
codegen_flags: <defaults>
</compile_context>

<pallas_src>
import jax
import jax.numpy as jnp
from jax import lax
from jax.experimental import pallas as pl
from jax.experimental.pallas import tpu as pltpu
from jax.experimental.pallas import tpu_sc as plsc

S, C, L, T = 10, 21, 3, 3
B = 16384

NUM_CORES = 2
NUM_SUBCORES = 16
LANES = 16
NW = NUM_CORES * NUM_SUBCORES
BPW = B // NW
NV = BPW // LANES

W4 = S * C * L * T
W3 = S * C * T


def _balancer_kernel(w_hbm, s_hbm, c_hbm, l_hbm, t_hbm,
                     o4_hbm, o3_hbm,
                     w_v, s_v, c_v, l_v, t_v, o4_v, o3_v, sem):
    wid = lax.axis_index("s") * NUM_CORES + lax.axis_index("c")
    base = wid * BPW
    copies = [
        pltpu.async_copy(w_hbm, w_v, sem),
        pltpu.async_copy(s_hbm.at[pl.ds(base, BPW)], s_v, sem),
        pltpu.async_copy(c_hbm.at[pl.ds(base, BPW)], c_v, sem),
        pltpu.async_copy(l_hbm.at[pl.ds(base, BPW)], l_v, sem),
        pltpu.async_copy(t_hbm.at[pl.ds(base, BPW)], t_v, sem),
    ]
    for cp in copies:
        cp.wait()

    @plsc.parallel_loop(0, NV, 1, unroll=4)
    def body(i):
        sl = pl.ds(i * LANES, LANES)
        s = s_v[sl]
        c = c_v[sl]
        l = l_v[sl]
        t = t_v[sl]
        sc = s * C + c
        i4 = (sc * L + l) * T + t
        i3 = sc * T + t + W4
        o4_v[sl] = plsc.load_gather(w_v, [i4])
        o3_v[sl] = plsc.load_gather(w_v, [i3])

    out_copies = [
        pltpu.async_copy(o4_v, o4_hbm.at[pl.ds(base, BPW)], sem),
        pltpu.async_copy(o3_v, o3_hbm.at[pl.ds(base, BPW)], sem),
    ]
    for cp in out_copies:
        cp.wait()


@jax.jit
def kernel(weights_sclt, weights_sct, sources, counts, labels, variant_types):
    w = jnp.concatenate([weights_sclt.reshape(-1), weights_sct.reshape(-1)])
    s = sources.astype(jnp.int32)
    c = counts.astype(jnp.int32)
    l = labels.astype(jnp.int32)
    t = variant_types.astype(jnp.int32)

    mesh = plsc.VectorSubcoreMesh(core_axis_name="c", subcore_axis_name="s")
    run = pl.kernel(
        _balancer_kernel, mesh=mesh,
        compiler_params=pltpu.CompilerParams(needs_layout_passes=False),
        out_type=[jax.ShapeDtypeStruct((B,), jnp.float32),
                  jax.ShapeDtypeStruct((B,), jnp.float32)],
        scratch_types=[
            pltpu.VMEM((W4 + W3,), jnp.float32),
            pltpu.VMEM((BPW,), jnp.int32),
            pltpu.VMEM((BPW,), jnp.int32),
            pltpu.VMEM((BPW,), jnp.int32),
            pltpu.VMEM((BPW,), jnp.int32),
            pltpu.VMEM((BPW,), jnp.float32),
            pltpu.VMEM((BPW,), jnp.float32),
            pltpu.SemaphoreType.DMA,
        ],
    )
    w_label, w_source = run(w, s, c, l, t)
    return (w_label, w_source)

# --- scband reference (transcript-rebuilt; emitter-appended) ---
"""Pipeline reference for scband-balancer-48558900249111 (READ-ONLY COPY).

The authoritative reference and input builder live on the scoring server;
editing this copy changes nothing except your own understanding.
"""

import jax, jax.numpy as jnp
import numpy as np

S, C, L, T = 10, 21, 3, 3
B = 16384


def setup_inputs(seed: int = 0) -> dict:
    key = jax.random.key(seed)
    k1, k2, k3, k4, k5, k6 = jax.random.split(key, 6)
    return {
        "weights_sclt": jax.random.uniform(k1, (S, C, L, T), dtype=jnp.float32),
        "weights_sct": jax.random.uniform(k2, (S, C, T), dtype=jnp.float32),
        "sources": jax.random.randint(k3, (B,), 0, S),
        "counts": jax.random.randint(k4, (B,), 0, C),
        "labels": jax.random.randint(k5, (B,), 0, L),
        "variant_types": jax.random.randint(k6, (B,), 0, T),
    }


def reference(weights_sclt, weights_sct, sources, counts, labels, variant_types):
    # calculate_batch_weights: index_4d_array(label_balancing_weights_sclt, s, c, l, t)
    w_label = weights_sclt[sources, counts, labels, variant_types]
    # calculate_batch_source_weights(by_count=True): index_3d_array(source_balancing_weights_sct, s, c, t)
    w_source = weights_sct[sources, counts, variant_types]
    return (w_label, w_source)

if __name__ == "__main__":
    import jax
    _d = setup_inputs()
    print(jax.jit(kernel)(*tuple(_d.values())))

</pallas_src>

<mosaic_0001>
#map = affine_map<(d0, d1) -> (0)>
module attributes {stable_mosaic.version = 14 : i64} {
  func.func @_balancer_kernel(%arg0: i32, %arg1: i32, %arg2: memref<2520xf32, #tpu.memory_space<hbm>>, %arg3: memref<16384xi32, #tpu.memory_space<hbm>>, %arg4: memref<16384xi32, #tpu.memory_space<hbm>>, %arg5: memref<16384xi32, #tpu.memory_space<hbm>>, %arg6: memref<16384xi32, #tpu.memory_space<hbm>>, %arg7: memref<16384xf32, #tpu.memory_space<hbm>>, %arg8: memref<16384xf32, #tpu.memory_space<hbm>>, %arg9: memref<2520xf32, #tpu.memory_space<vmem>>, %arg10: memref<512xi32, #tpu.memory_space<vmem>>, %arg11: memref<512xi32, #tpu.memory_space<vmem>>, %arg12: memref<512xi32, #tpu.memory_space<vmem>>, %arg13: memref<512xi32, #tpu.memory_space<vmem>>, %arg14: memref<512xf32, #tpu.memory_space<vmem>>, %arg15: memref<512xf32, #tpu.memory_space<vmem>>, %arg16: memref<!tpu.dma_semaphore, #tpu.memory_space<semaphore_mem>>) attributes {dimension_semantics = [#tpu.dimension_semantics<core_parallel>, #tpu.dimension_semantics<subcore_parallel>], iteration_bounds = array<i64: 2, 16>, scalar_prefetch = 0 : i64, scratch_operands = 8 : i64, tpu.core_type = #tpu.core_type<sc_vector_subcore>, window_params = [{transform_indices = #map}, {transform_indices = #map}, {transform_indices = #map}, {transform_indices = #map}, {transform_indices = #map}, {transform_indices = #map}, {transform_indices = #map}]} {
    %mul3A = arith.constant 2 : i32
    %mul3A_0 = arith.muli %arg1, %mul3A : i32
    %add3A = arith.addi %mul3A_0, %arg0 : i32
    %mul3A_1 = arith.constant 512 : i32
    %mul3A_2 = arith.muli %add3A, %mul3A_1 : i32
    tpu.enqueue_dma source(%arg2 : memref<2520xf32, #tpu.memory_space<hbm>>) target(%arg9 : memref<2520xf32, #tpu.memory_space<vmem>>) target_semaphore(%arg16 : memref<!tpu.dma_semaphore, #tpu.memory_space<semaphore_mem>>)
    %dma_start3A = tpu.memref_slice %arg3[%mul3A_2] : memref<16384xi32, #tpu.memory_space<hbm>> -> memref<512xi32, #tpu.memory_space<hbm>>
    %dma_start3A_3 = tpu.memref_slice %arg3[%mul3A_2] : memref<16384xi32, #tpu.memory_space<hbm>> -> memref<512xi32, #tpu.memory_space<hbm>>
    tpu.enqueue_dma source(%dma_start3A_3 : memref<512xi32, #tpu.memory_space<hbm>>) target(%arg10 : memref<512xi32, #tpu.memory_space<vmem>>) target_semaphore(%arg16 : memref<!tpu.dma_semaphore, #tpu.memory_space<semaphore_mem>>)
    %dma_start3A_4 = tpu.memref_slice %arg4[%mul3A_2] : memref<16384xi32, #tpu.memory_space<hbm>> -> memref<512xi32, #tpu.memory_space<hbm>>
    %dma_start3A_5 = tpu.memref_slice %arg4[%mul3A_2] : memref<16384xi32, #tpu.memory_space<hbm>> -> memref<512xi32, #tpu.memory_space<hbm>>
    tpu.enqueue_dma source(%dma_start3A_5 : memref<512xi32, #tpu.memory_space<hbm>>) target(%arg11 : memref<512xi32, #tpu.memory_space<vmem>>) target_semaphore(%arg16 : memref<!tpu.dma_semaphore, #tpu.memory_space<semaphore_mem>>)
    %dma_start3A_6 = tpu.memref_slice %arg5[%mul3A_2] : memref<16384xi32, #tpu.memory_space<hbm>> -> memref<512xi32, #tpu.memory_space<hbm>>
    %dma_start3A_7 = tpu.memref_slice %arg5[%mul3A_2] : memref<16384xi32, #tpu.memory_space<hbm>> -> memref<512xi32, #tpu.memory_space<hbm>>
    tpu.enqueue_dma source(%dma_start3A_7 : memref<512xi32, #tpu.memory_space<hbm>>) target(%arg12 : memref<512xi32, #tpu.memory_space<vmem>>) target_semaphore(%arg16 : memref<!tpu.dma_semaphore, #tpu.memory_space<semaphore_mem>>)
    %dma_start3A_8 = tpu.memref_slice %arg6[%mul3A_2] : memref<16384xi32, #tpu.memory_space<hbm>> -> memref<512xi32, #tpu.memory_space<hbm>>
    %dma_start3A_9 = tpu.memref_slice %arg6[%mul3A_2] : memref<16384xi32, #tpu.memory_space<hbm>> -> memref<512xi32, #tpu.memory_space<hbm>>
    tpu.enqueue_dma source(%dma_start3A_9 : memref<512xi32, #tpu.memory_space<hbm>>) target(%arg13 : memref<512xi32, #tpu.memory_space<vmem>>) target_semaphore(%arg16 : memref<!tpu.dma_semaphore, #tpu.memory_space<semaphore_mem>>)
    tpu.wait_dma2 semaphore(%arg16 : memref<!tpu.dma_semaphore, #tpu.memory_space<semaphore_mem>>) src(%arg2 : memref<2520xf32, #tpu.memory_space<hbm>>) dst(%arg9 : memref<2520xf32, #tpu.memory_space<vmem>>)
    %dma_wait3A = tpu.memref_slice %arg3[%mul3A_2] : memref<16384xi32, #tpu.memory_space<hbm>> -> memref<512xi32, #tpu.memory_space<hbm>>
    %dma_wait3A_10 = tpu.memref_slice %arg3[%mul3A_2] : memref<16384xi32, #tpu.memory_space<hbm>> -> memref<512xi32, #tpu.memory_space<hbm>>
    tpu.wait_dma2 semaphore(%arg16 : memref<!tpu.dma_semaphore, #tpu.memory_space<semaphore_mem>>) src(%dma_wait3A_10 : memref<512xi32, #tpu.memory_space<hbm>>) dst(%arg10 : memref<512xi32, #tpu.memory_space<vmem>>)
    %dma_wait3A_11 = tpu.memref_slice %arg4[%mul3A_2] : memref<16384xi32, #tpu.memory_space<hbm>> -> memref<512xi32, #tpu.memory_space<hbm>>
    %dma_wait3A_12 = tpu.memref_slice %arg4[%mul3A_2] : memref<16384xi32, #tpu.memory_space<hbm>> -> memref<512xi32, #tpu.memory_space<hbm>>
    tpu.wait_dma2 semaphore(%arg16 : memref<!tpu.dma_semaphore, #tpu.memory_space<semaphore_mem>>) src(%dma_wait3A_12 : memref<512xi32, #tpu.memory_space<hbm>>) dst(%arg11 : memref<512xi32, #tpu.memory_space<vmem>>)
    %dma_wait3A_13 = tpu.memref_slice %arg5[%mul3A_2] : memref<16384xi32, #tpu.memory_space<hbm>> -> memref<512xi32, #tpu.memory_space<hbm>>
    %dma_wait3A_14 = tpu.memref_slice %arg5[%mul3A_2] : memref<16384xi32, #tpu.memory_space<hbm>> -> memref<512xi32, #tpu.memory_space<hbm>>
    tpu.wait_dma2 semaphore(%arg16 : memref<!tpu.dma_semaphore, #tpu.memory_space<semaphore_mem>>) src(%dma_wait3A_14 : memref<512xi32, #tpu.memory_space<hbm>>) dst(%arg12 : memref<512xi32, #tpu.memory_space<vmem>>)
    %dma_wait3A_15 = tpu.memref_slice %arg6[%mul3A_2] : memref<16384xi32, #tpu.memory_space<hbm>> -> memref<512xi32, #tpu.memory_space<hbm>>
    %dma_wait3A_16 = tpu.memref_slice %arg6[%mul3A_2] : memref<16384xi32, #tpu.memory_space<hbm>> -> memref<512xi32, #tpu.memory_space<hbm>>
    tpu.wait_dma2 semaphore(%arg16 : memref<!tpu.dma_semaphore, #tpu.memory_space<semaphore_mem>>) src(%dma_wait3A_16 : memref<512xi32, #tpu.memory_space<hbm>>) dst(%arg13 : memref<512xi32, #tpu.memory_space<vmem>>)
    %parallel_loop3A = arith.constant 0 : i32
    %parallel_loop3A_17 = arith.constant 32 : i32
    %parallel_loop3A_18 = arith.constant 1 : i32
    scf.for %parallel_loop3A_27 = %parallel_loop3A to %parallel_loop3A_17 step %parallel_loop3A_18  : i32 {
      %parallel_loop3A_28 = arith.constant 16 : i32
      %parallel_loop3A_29 = arith.muli %parallel_loop3A_27, %parallel_loop3A_28 : i32
      %parallel_loop3A_30 = arith.index_cast %parallel_loop3A_29 : i32 to index
      %parallel_loop3A_31 = tpu.vector_load %arg10[%parallel_loop3A_30] {strides = array<i32>} : memref<512xi32, #tpu.memory_space<vmem>>, vector<16xi32>,
      %parallel_loop3A_32 = arith.index_cast %parallel_loop3A_29 : i32 to index
      %parallel_loop3A_33 = tpu.vector_load %arg11[%parallel_loop3A_32] {strides = array<i32>} : memref<512xi32, #tpu.memory_space<vmem>>, vector<16xi32>,
      %parallel_loop3A_34 = arith.index_cast %parallel_loop3A_29 : i32 to index
      %parallel_loop3A_35 = tpu.vector_load %arg12[%parallel_loop3A_34] {strides = array<i32>} : memref<512xi32, #tpu.memory_space<vmem>>, vector<16xi32>,
      %parallel_loop3A_36 = arith.index_cast %parallel_loop3A_29 : i32 to index
      %parallel_loop3A_37 = tpu.vector_load %arg13[%parallel_loop3A_36] {strides = array<i32>} : memref<512xi32, #tpu.memory_space<vmem>>, vector<16xi32>,
      %parallel_loop3A_38 = arith.constant 21 : i32
      %parallel_loop3A_39 = vector.broadcast %parallel_loop3A_38 : i32 to vector<16xi32>
      %parallel_loop3A_40 = arith.muli %parallel_loop3A_31, %parallel_loop3A_39 : vector<16xi32>
      %parallel_loop3A_41 = arith.addi %parallel_loop3A_40, %parallel_loop3A_33 : vector<16xi32>
      %parallel_loop3A_42 = arith.constant 3 : i32
      %parallel_loop3A_43 = vector.broadcast %parallel_loop3A_42 : i32 to vector<16xi32>
      %parallel_loop3A_44 = arith.muli %parallel_loop3A_41, %parallel_loop3A_43 : vector<16xi32>
      %parallel_loop3A_45 = arith.addi %parallel_loop3A_44, %parallel_loop3A_35 : vector<16xi32>
      %parallel_loop3A_46 = arith.constant 3 : i32
      %parallel_loop3A_47 = vector.broadcast %parallel_loop3A_46 : i32 to vector<16xi32>
      %parallel_loop3A_48 = arith.muli %parallel_loop3A_45, %parallel_loop3A_47 : vector<16xi32>
      %parallel_loop3A_49 = arith.addi %parallel_loop3A_48, %parallel_loop3A_37 : vector<16xi32>
      %parallel_loop3A_50 = arith.constant 3 : i32
      %parallel_loop3A_51 = vector.broadcast %parallel_loop3A_50 : i32 to vector<16xi32>
      %parallel_loop3A_52 = arith.muli %parallel_loop3A_41, %parallel_loop3A_51 : vector<16xi32>
      %parallel_loop3A_53 = arith.addi %parallel_loop3A_52, %parallel_loop3A_37 : vector<16xi32>
      %parallel_loop3A_54 = arith.constant 1890 : i32
      %parallel_loop3A_55 = vector.broadcast %parallel_loop3A_54 : i32 to vector<16xi32>
      %parallel_loop3A_56 = arith.addi %parallel_loop3A_53, %parallel_loop3A_55 : vector<16xi32>
      %parallel_loop3A_57 = tpu.vector_load_idx %arg9[%parallel_loop3A_49] : memref<2520xf32, #tpu.memory_space<vmem>>[vector<16xi32>], vector<16xf32>,
      %parallel_loop3A_58 = arith.index_cast %parallel_loop3A_29 : i32 to index
      %parallel_loop3A_59 = tpu.vector_load %arg14[%parallel_loop3A_58] {strides = array<i32>} : memref<512xf32, #tpu.memory_space<vmem>>, vector<16xf32>,
      tpu.vector_store %arg14[%parallel_loop3A_58], %parallel_loop3A_57 {strides = array<i32>} : memref<512xf32, #tpu.memory_space<vmem>>, vector<16xf32>,
      %parallel_loop3A_60 = tpu.vector_load_idx %arg9[%parallel_loop3A_56] : memref<2520xf32, #tpu.memory_space<vmem>>[vector<16xi32>], vector<16xf32>,
      %parallel_loop3A_61 = arith.index_cast %parallel_loop3A_29 : i32 to index
      %parallel_loop3A_62 = tpu.vector_load %arg15[%parallel_loop3A_61] {strides = array<i32>} : memref<512xf32, #tpu.memory_space<vmem>>, vector<16xf32>,
      tpu.vector_store %arg15[%parallel_loop3A_61], %parallel_loop3A_60 {strides = array<i32>} : memref<512xf32, #tpu.memory_space<vmem>>, vector<16xf32>,
    } {sc.loop_unroll_factor = 4 : i64, sc.parallel_access}
    %dma_start3A_19 = tpu.memref_slice %arg7[%mul3A_2] : memref<16384xf32, #tpu.memory_space<hbm>> -> memref<512xf32, #tpu.memory_space<hbm>>
    %dma_start3A_20 = tpu.memref_slice %arg7[%mul3A_2] : memref<16384xf32, #tpu.memory_space<hbm>> -> memref<512xf32, #tpu.memory_space<hbm>>
    tpu.enqueue_dma source(%arg14 : memref<512xf32, #tpu.memory_space<vmem>>) target(%dma_start3A_20 : memref<512xf32, #tpu.memory_space<hbm>>) target_semaphore(%arg16 : memref<!tpu.dma_semaphore, #tpu.memory_space<semaphore_mem>>)
    %dma_start3A_21 = tpu.memref_slice %arg8[%mul3A_2] : memref<16384xf32, #tpu.memory_space<hbm>> -> memref<512xf32, #tpu.memory_space<hbm>>
    %dma_start3A_22 = tpu.memref_slice %arg8[%mul3A_2] : memref<16384xf32, #tpu.memory_space<hbm>> -> memref<512xf32, #tpu.memory_space<hbm>>
    tpu.enqueue_dma source(%arg15 : memref<512xf32, #tpu.memory_space<vmem>>) target(%dma_start3A_22 : memref<512xf32, #tpu.memory_space<hbm>>) target_semaphore(%arg16 : memref<!tpu.dma_semaphore, #tpu.memory_space<semaphore_mem>>)
    %dma_wait3A_23 = tpu.memref_slice %arg7[%mul3A_2] : memref<16384xf32, #tpu.memory_space<hbm>> -> memref<512xf32, #tpu.memory_space<hbm>>
    %dma_wait3A_24 = tpu.memref_slice %arg7[%mul3A_2] : memref<16384xf32, #tpu.memory_space<hbm>> -> memref<512xf32, #tpu.memory_space<hbm>>
    tpu.wait_dma2 semaphore(%arg16 : memref<!tpu.dma_semaphore, #tpu.memory_space<semaphore_mem>>) src(%arg14 : memref<512xf32, #tpu.memory_space<vmem>>) dst(%dma_wait3A_24 : memref<512xf32, #tpu.memory_space<hbm>>)
    %dma_wait3A_25 = tpu.memref_slice %arg8[%mul3A_2] : memref<16384xf32, #tpu.memory_space<hbm>> -> memref<512xf32, #tpu.memory_space<hbm>>
    %dma_wait3A_26 = tpu.memref_slice %arg8[%mul3A_2] : memref<16384xf32, #tpu.memory_space<hbm>> -> memref<512xf32, #tpu.memory_space<hbm>>
    tpu.wait_dma2 semaphore(%arg16 : memref<!tpu.dma_semaphore, #tpu.memory_space<semaphore_mem>>) src(%arg15 : memref<512xf32, #tpu.memory_space<vmem>>) dst(%dma_wait3A_26 : memref<512xf32, #tpu.memory_space<hbm>>)
    return
  }
}

</mosaic_0001>

<sc_bundles>
// kernel: kernel.3.cloned.1.call-start
scs
__scs_entry_jumppad:
0x0: {  	(pc) =	sbr.rel $0x88, $3  }
0x1: {  	(tag) =	ssettag $0x0;
	lr =	simm.s32 $0x1  }
0x2: {  	[smem:$0x3F9B] =	sst lr;
	_ =	strace $0xD0000000  }
0x3: {  	_ = 	snop  }
0x4: {  	_ = 	snop  }
0x5: {  	_ = 	snop  }
0x6: {  	_ = 	snop  }
0x7: {  	_ = 	snop  }
__scs_overlays_trampoline_lowered:
0x8: {  	[smem:$0x3FAA] =	sst s0  }
0x9: {  	[smem:$0x3FAB] =	sst s1  }
0xa: {  	[smem:$0x3FAC] =	sst s2  }
0xb: {  	[smem:$0x3FAD] =	sst s3  }
0xc: {  	[smem:$0x3FAE] =	sst s4  }
0xd: {  	[smem:$0x3FAF] =	sst s5  }
0xe: {  	[smem:$0x3FB0] =	sst s6  }
0xf: {  	[smem:$0x3FB1] =	sst s7  }
0x10: {  	[smem:$0x3FB2] =	sst s8  }
0x11: {  	[smem:$0x3FB3] =	sst s9;
	s0 =	simm.s32 @!p0 $0x0  }
0x12: {  	s1 =	sld [smem:$0x3F99];
	s0 =	simm.s32 @p0 $0x1  }
0x13: {  	[smem:$0x3FB4] =	sst s0;
	s0 =	simm.s32 @!p1 $0x0  }
0x14: {  	s2 =	sld [smem:$0x3F98];
	s0 =	simm.s32 @p1 $0x1  }
0x15: {  	[smem:$0x3FB5] =	sst s0;
	s0 =	simm.s32 @!p2 $0x0  }
0x16: {  	s3 =	sld [smem:$0x3FDB];
	s0 =	simm.s32 @p2 $0x1  }
0x17: {  	s4 =	simm.s32 $0x1BF5;
	[smem:$0x3FB7] =	sst s0  }
0x18: {  	s0 =	sld [smem:$0x3F9A];
	_ =	swait.ge [sflag:s4], $0x0  }
0x19: {  	s7 =	sld [smem:$0x3F9B]  }
0x1a: {  	s8 =	sadd.s32 $0xFFFFE003, lr  }
0x1b: {  	s9 =	sadd.s32 $0xFFFFFEF7, lr;
	s5 =	simm.s32 $0xFFFFFFFF;
	p2 =	slt.u32 s8, $0xFFFFF086  }
0x1c: {  	p1 =	slt.u32 s9, $0xF7A;
	s5 =	simm.s32 @!p2 $0x0  }
0x1d: {  	s5 =	simm.s32 @p1 $0x1;
	p0 =	seq.s32 s7, s2  }
0x1e: {  	s7 =	smul.u32 @!p0 $0xF7A, s2;
	p2 =	seq.s32 @!p0 s5, $0x0  }
0x1f: {  	s9 =	smul.u32 $0xF7A, s1;
	s8 =	simm.s32 @!p0 $0x1BF5;
	p2 =	por !p2, p0  }
0x20: {  	[sflag:s8] =	ssyncset.s32 @!p0 $0xFFFFF086;
	s6 =	sadd.s32 @!p0 s3, s7;
	s7 =	simm.s32 @!p0 $0x108  }
0x21: {  	s3 =	sadd.s32 s3, s9;
	s6 =	sadd.s32 @!p0 $0x88, s6;
	s7 =	simm.s32 @p2 $0x1082  }
0x22: {  	[simem:s7], [sflag:s8] =	dma.local @!p0 [hbm:s6], $0xF7A  }
0x23: {  	s9 =	sor.u32 $0xD0000000, s2;
	s6 =	simm.s32 $0x108;
	_ =	swait.ge @!p0 [sflag:s8], $0x0  }
0x24: {  	s3 =	sadd.s32 $0x88, s3;
	s6 =	simm.s32 @!p1 $0x1082;
	[sflag:s4] =	ssyncset.s32 $0xFFFFF086  }
0x25: {  	[simem:s6], [sflag:s4] =	dma.local [hbm:s3], $0xF7A  }
0x26: {  	[smem:$0x3F9B] =	sst s1;
	(tag) =	ssettag s2;
	_ =	strace s9  }
0x27: {  	s1 =	sld [smem:$0x3FAB]  }
0x28: {  	s2 =	sld [smem:$0x3FAC]  }
0x29: {  	s4 =	sld [smem:$0x3FAE]  }
0x2a: {  	p0 =	seq.s32 s5, $0x0;
	s5 =	sld [smem:$0x3FAF]  }
0x2b: {  	s6 =	sld [smem:$0x3FB0]  }
0x2c: {  	s7 =	sld [smem:$0x3FB1]  }
0x2d: {  	s3 =	simm.s32 $0x108;
	s8 =	sld [smem:$0x3FB2]  }
0x2e: {  	s3 =	simm.s32 @!p0 $0x1082;
	s9 =	sld [smem:$0x3FB3]  }
0x2f: {  	lr =	sadd.s32 s0, s3;
	s0 =	sld [smem:$0x3FAA]  }
0x30: {  	s3 =	sld [smem:$0x3FAD]  }
0x31: {  	[smem:$0x3FB6] =	sst s10  }
0x32: {  	s10 =	sld [smem:$0x3FB4];
	_ =	sdelay $0x3  }
0x33: {  	p0 =	seq.s32 s10, $0x1;
	s10 =	sld [smem:$0x3FB6];
	_ =	sdelay $0x3  }
0x34: {  	[smem:$0x3FB6] =	sst s10  }
0x35: {  	s10 =	sld [smem:$0x3FB5];
	_ =	sdelay $0x3  }
0x36: {  	p1 =	seq.s32 s10, $0x1;
	s10 =	sld [smem:$0x3FB6];
	_ =	sdelay $0x3  }
0x37: {  	[smem:$0x3FB6] =	sst s10  }
0x38: {  	s10 =	sld [smem:$0x3FB7]  }
0x39: {  	_ = 	snop;
	(pc) =	sbr.ind lr, $3  }
0x3a: {  	_ = 	snop  }
0x3b: {  	_ = 	snop  }
0x3c: {  	p2 =	seq.s32 s10, $0x1;
	s10 =	sld [smem:$0x3FB6]  }
0x3d: {  	_ =	shalt  }
0x3e: {  	_ =	shalt  }
0x3f: {  	_ =	shalt  }
0x40: {  	_ =	shalt  }
0x41: {  	_ =	shalt  }
0x42: {  	_ =	shalt  }
0x43: {  	_ =	shalt  }
0x44: {  	_ =	shalt  }
0x45: {  	_ =	shalt  }
0x46: {  	_ =	shalt  }
0x47: {  	_ =	shalt  }
0x48: {  	_ =	shalt  }
0x49: {  	_ =	shalt  }
0x4a: {  	_ =	shalt  }
0x4b: {  	_ =	shalt  }
0x4c: {  	_ =	shalt  }
0x4d: {  	_ =	shalt  }
0x4e: {  	_ =	shalt  }
0x4f: {  	_ =	shalt  }
0x50: {  	_ =	shalt  }
0x51: {  	_ =	shalt  }
0x52: {  	_ =	shalt  }
0x53: {  	_ =	shalt  }
0x54: {  	_ =	shalt  }
0x55: {  	_ =	shalt  }
0x56: {  	_ =	shalt  }
0x57: {  	_ =	shalt  }
0x58: {  	_ =	shalt  }
0x59: {  	_ =	shalt  }
0x5a: {  	_ =	shalt  }
0x5b: {  	_ =	shalt  }
0x5c: {  	_ =	shalt  }
0x5d: {  	_ =	shalt  }
0x5e: {  	_ =	shalt  }
0x5f: {  	_ =	shalt  }
0x60: {  	_ =	shalt  }
0x61: {  	_ =	shalt  }
0x62: {  	_ =	shalt  }
0x63: {  	_ =	shalt  }
0x64: {  	_ =	shalt  }
0x65: {  	_ =	shalt  }
0x66: {  	_ =	shalt  }
0x67: {  	_ =	shalt  }
0x68: {  	_ =	shalt  }
0x69: {  	_ =	shalt  }
0x6a: {  	_ =	shalt  }
0x6b: {  	_ =	shalt  }
0x6c: {  	_ =	shalt  }
0x6d: {  	_ =	shalt  }
0x6e: {  	_ =	shalt  }
0x6f: {  	_ =	shalt  }
0x70: {  	_ =	shalt  }
0x71: {  	_ =	shalt  }
0x72: {  	_ =	shalt  }
0x73: {  	_ =	shalt  }
0x74: {  	_ =	shalt  }
0x75: {  	_ =	shalt  }
0x76: {  	_ =	shalt  }
0x77: {  	_ =	shalt  }
0x78: {  	_ =	shalt  }
0x79: {  	_ =	shalt  }
0x7a: {  	_ =	shalt  }
0x7b: {  	_ =	shalt  }
0x7c: {  	_ =	shalt  }
0x7d: {  	_ =	shalt  }
0x7e: {  	_ =	shalt  }
0x7f: {  	_ =	shalt  }
0x80: {  	_ =	shalt  }
0x81: {  	_ =	shalt  }
0x82: {  	_ =	shalt  }
0x83: {  	_ =	shalt  }
0x84: {  	_ =	shalt  }
0x85: {  	_ =	shalt  }
0x86: {  	_ =	shalt  }
0x87: {  	_ =	shalt  }
.Lfunc_end0:
.L_simem_size_0:
called_computation_lowered:
.L_overlay_start_0:
0x88: {  	s2 =	sld [smem:$0x3FD9]  }
0x89: {  	s3 =	sld [smem:$0x3FFE];
	_ =	sdelay $0x1  }
0x8a: {  	s1 =	srdreg.scid  }
0x8b: {  	s0 =	sand.u32 $0x1, s1  }
0x8c: {  	s14 =	sshll.u32 s0, $0xA;
	s2 =	sadd.s32 s3, s2  }
0x8d: {  	s2 =	sadd.s32 s2, s14  }
0x8e: {  	[smem:$0x3FC2] =	sst s2  }
0x8f: {  	_ = 	snop  }
0x90: {  	s2 =	sld [smem:$0x3FC7]  }
0x91: {  	s15 =	sld [smem:$0x3FD0]  }
0x92: {  	s4 =	sld [smem:$0x3FC6]  }
0x93: {  	s5 =	sld [smem:$0x3FC5]  }
0x94: {  	s7 =	simm.s32 $0xA;
	s8 =	simm.s32 $0x10;
	s6 =	sld [smem:$0x3FC4]  }
0x95: {  	[smem:s8], [sflag:s7] =	dma.local [hbm:s15], $0x1  }
0x96: {  	_ =	swait.eq [sflag:s7], $0x1  }
0x97: {  	[sflag:s7] =	ssyncset.done $0x0  }
0x98: {  	s16 =	sld [smem:$0x10];
	[sflag:s7] =	ssyncadd.s32 $0xFFFFFFFF  }
0x99: {  	s17 =	sld [smem:$0x11];
	(tm) =	ssettm $0x1  }
0x9a: {  	s18 =	sld [smem:$0x3FFB];
	_ =	sdelay $0x3  }
0x9b: {  	_ =	strace s18  }
0x9c: {  	s8 =	sld [smem:$0x3FFC];
	_ =	sdelay $0x3  }
0x9d: {  	_ =	strace s8  }
0x9e: {  	s8 =	sld [smem:$0x3FFD];
	_ =	sdelay $0x3  }
0x9f: {  	_ =	strace s8  }
0xa0: {  	_ =	strace $0x8FFFFFFF  }
0xa1: {  	s19 =	sld [smem:$0x3FDB];
	_ =	sdelay $0x1  }
0xa2: {  	s9 =	simm.s32 $_scs_section_size  }
0xa3: {  	s10 =	simm.s32 $_size__tile_overlayer_lowered;
	s11 =	simm.s32 $_tile_overlayer_lowered  }
0xa4: {  	s22 =	simm.s32 $0x1BFF;
	s21 =	sshll.u32 s11, $0x1;
	s8 =	sadd.s32 s9, s19  }
0xa5: {  	s12 =	simm.s32 $0x0;
	s20 =	sshll.u32 s10, $0x1;
	s10 =	sadd.s32 s21, s8  }
0xa6: {  	[timem:s12], [sflag:s22] =	dma.local [hbm:s10], s20  }
0xa7: {  	_ =	swait.ge [sflag:s22], s20  }
0xa8: {  	s9 =	ssub.s32 $0x0, s20;
	[sflag:s22] =	ssyncset.done $0x0  }
0xa9: {  	[sflag:s22] =	ssyncadd.s32 s9;
	_ =	sdelay $0x1  }
0xaa: {  	s23 =	simm.s32 $0x1B8B  }
0xab: {  	_ =	swait.ge [sflag:s23], $0x1  }
0xac: {  	[sflag:s23] =	ssyncset.done $0x0  }
0xad: {  	s25 =	simm.s32 $0x1B8E;
	s24 =	sld [smem:$0x3FFE];
	[sflag:s23] =	ssyncadd.s32 $0xFFFFFFFF  }
0xae: {  	s26 =	simm.s32 $execute0_lowered;
	[smem:$0x3FD2] =	sst s25  }
0xaf: {  	s10 =	sshll.u32 s26, $0x1;
	_ =	strace $0x80000046;
	[dreg:$0x1] =	wrdreg $0xFFFFFFFF  }
0xb0: {  	s28 =	simm.s32 $_size_execute0_lowered;
	s8 =	sadd.s32 s8, s10;
	[dreg:$0x0] =	wrdreg $0x0  }
0xb1: {  	s10 =	sshll.u32 s28, $0x1;
	[dreg:$0x2] =	wrdreg s8  }
0xb2: {  	[dreg:$0x3] =	wrdreg s10  }
0xb3: {  	[dreg:$0x4] =	wrdreg $0xC0  }
0xb4: {  	_ =	task [dreg:s12], $0x5FFFF  }
0xb5: {  	[dreg:$0x1] =	wrdreg $0xFFFFFFFF  }
0xb6: {  	[dreg:$0x0] =	wrdreg $0x60  }
0xb7: {  	[dreg:$0x2] =	wrdreg s24  }
0xb8: {  	[dreg:$0x3] =	wrdreg s2  }
0xb9: {  	[dreg:$0x4] =	wrdreg s4  }
0xba: {  	[dreg:$0x5] =	wrdreg s5  }
0xbb: {  	[dreg:$0x6] =	wrdreg s6  }
0xbc: {  	[dreg:$0x7] =	wrdreg s16  }
0xbd: {  	[dreg:$0x8] =	wrdreg s17  }
0xbe: {  	[dreg:$0x9] =	wrdreg $0x9  }
0xbf: {  	_ =	task.clear_ibuf [dreg:s12], $0xAFFFF;
	_ =	strace $0x90000046  }
0xc0: {  	s29 =	simm.s32 $0x9;
	_ =	strace $0x80000048  }
0xc1: {  	_ =	swait.ge [sflag:s29], $0x1  }
0xc2: {  	[sflag:s29] =	ssyncadd.s32 $0xFFFFFFFF  }
0xc3: {  	_ =	strace $0x90000048  }
0xc4: {  	_ =	sfence  }
0xc5: {  	s30 =	sld [smem:$0x0];
	_ =	sdelay $0x2  }
0xc6: {  	s31 =	sshll.u32 s1, $0xD;
	s1 =	sshrl.u32 s1, $0x2  }
0xc7: {  	s3 =	sand.u32 $0x4000, s31;
	s1 =	sadd.s32 s1, s30  }
0xc8: {  	s0 =	sor.u32 s3, s0;
	s1 =	sshll.u32 s1, $0x11  }
0xc9: {  	s0 =	sor.u32 s1, s0  }
0xca: {  	s0 =	sadd.s32 $0x8F2B, s0  }
0xcb: {  	[sflag:s0] =	ssyncadd.remote.s32 $0x1  }
0xcc: {  	_ =	sfence.sel $0xFFFF  }
0xcd: {  	[dreg:$0x0] =	wrdreg $0xFFFFFFFF;
	(pc) =	sbr.abs _section_cstart, $3  }
0xce: {  	[dreg:$0x1] =	wrdreg $0xFFFFFFFF  }
0xcf: {  	_ =	task.clear_ibuf [dreg:s12], $0x2FFFF;
	_ =	strace $0x9FFFFFFF  }
0xd0: {  	(tm) =	ssettm $0x7FFFFFFF  }
0xd1: {  	_ =	shalt  }
tec
execute0_lowered:
.L_overlay_start_1:
0x0: {  	(tag) =	ssettag $0x1  }
0x1: {  	s3 =	rddreg [dreg:$0x0]  }
0x2: {  	s4 =	rddreg [dreg:$0x1]  }
0x3: {  	s5 =	rddreg [dreg:$0x2]  }
0x4: {  	s6 =	rddreg [dreg:$0x3]  }
0x5: {  	s7 =	rddreg [dreg:$0x4]  }
0x6: {  	s8 =	rddreg [dreg:$0x5]  }
0x7: {  	s9 =	rddreg [dreg:$0x6]  }
0x8: {  	s0 =	rddreg [dreg:$0x7];
	s1 =	simm.s32 $0x0  }
0x9: {  	s2 =	srdreg.scid;
	s14 =	simm.s32 $0x1000;
	s15 =	simm.s32 $0x1  }
0xa: {  	s16 =	simm.s32 $0x1200;
	s17 =	simm.s32 $0x1400;
	s18 =	simm.s32 $0x0  }
0xb: {  	[smem:$0x7FF] =	sst s1;
	s10 =	sand.u32 $0x1, s2;
	s2 =	stileid.u32  }
0xc: {  	s3 =	sadd.s32 $0x800, s3;
	_ =	strace $0x80000047;
	s11 =	ssub.s32 $0x2, s10  }
0xd: {  	s13 =	sshll.u32 s2, $0x7;
	s10 =	sshll.u32 s10, $0x6;
	s12 =	sshrl.u32 s11, $0x1  }
0xe: {  	s10 =	sor.u32 s10, s13;
	s13 =	simm.s32 $0xE00;
	s11 =	ssub.s32 s11, s12  }
0xf: {  	s4 =	sadd.s32 s4, s10;
	s5 =	sadd.s32 s5, s10;
	s6 =	sadd.s32 s6, s10  }
0x10: {  	s7 =	sadd.s32 s7, s10;
	s8 =	sadd.s32 s8, s10;
	s9 =	sadd.s32 s9, s10  }
0x11: {  	s12 =	simm.s32 $0xC00;
	s10 =	smax.u32 s11, $0x1;
	s11 =	simm.s32 $0xA00  }
.LBB2_1:
0x12: {  	[tilespmem:s1], [sflag:$0x1] =	stream.linear.gather [hbm4b:s3+s1], $0xA00, $0x38;
	[tilespmem:$0x1600] =	vst v63  }
0x13: {  	_ = 	snop  }
0x14: {  	[tilespmem:s11], [sflag:$0x1] =	stream.linear.gather [hbm4b:s4+s1], $0x200, $0x38;
	[tilespmem:$0x1600] =	vst v63  }
0x15: {  	_ = 	snop  }
0x16: {  	[tilespmem:s12], [sflag:$0x1] =	stream.linear.gather [hbm4b:s5+s1], $0x200, $0x38;
	[tilespmem:$0x1600] =	vst v63  }
0x17: {  	_ = 	snop  }
0x18: {  	[tilespmem:s13], [sflag:$0x1] =	stream.linear.gather [hbm4b:s6+s1], $0x200, $0x38;
	[tilespmem:$0x1600] =	vst v63  }
0x19: {  	_ = 	snop  }
0x1a: {  	[tilespmem:s14], [sflag:$0x1] =	stream.linear.gather [hbm4b:s7+s1], $0x200, $0x38;
	[tilespmem:$0x1600] =	vst v63  }
0x1b: {  	_ =	swait.ge [sflag:s15], $0xA00  }
0x1c: {  	[sflag:s15] =	ssyncset.done $0x0  }
0x1d: {  	[sflag:s15] =	ssyncadd.s32 $0xFFFFF600  }
0x1e: {  	_ =	swait.ge [sflag:s15], $0x200  }
0x1f: {  	[sflag:s15] =	ssyncset.done $0x0  }
0x20: {  	[sflag:s15] =	ssyncadd.s32 $0xFFFFFE00  }
0x21: {  	_ =	swait.ge [sflag:s15], $0x200  }
0x22: {  	[sflag:s15] =	ssyncset.done $0x0  }
0x23: {  	[sflag:s15] =	ssyncadd.s32 $0xFFFFFE00  }
0x24: {  	_ =	swait.ge [sflag:s15], $0x200  }
0x25: {  	[sflag:s15] =	ssyncset.done $0x0  }
0x26: {  	[sflag:s15] =	ssyncadd.s32 $0xFFFFFE00  }
0x27: {  	_ =	swait.ge [sflag:s15], $0x200  }
0x28: {  	[sflag:s15] =	ssyncset.done $0x0  }
0x29: {  	s19 =	simm.s32 $0xA20;
	[sflag:s15] =	ssyncadd.s32 $0xFFFFFE00  }
0x2a: {  	s20 =	simm.s32 $0xC20;
	v0 =	vld [tilespmem:s19+$0x10]  }
0x2b: {  	s21 =	simm.s32 $0xE20;
	v1 =	vld [tilespmem:s20+$0x10]  }
0x2c: {  	v2 =	vld [tilespmem:s21+$0x10]  }
0x2d: {  	v3 =	vld [tilespmem:s19+$0xFFFFFFF0]  }
0x2e: {  	v4 =	vld [tilespmem:s19+$0x0]  }
0x2f: {  	v5 =	vld [tilespmem:s19+$0xFFFFFFE0];
	v0 =	vmul.u32 $0x15, v0  }
0x30: {  	v6 =	vld [tilespmem:s20+$0xFFFFFFE0]  }
0x31: {  	s22 =	simm.s32 $0x1020;
	v7 =	vld [tilespmem:s20+$0xFFFFFFF0];
	v0 =	vadd.s32 v1, v0  }
0x32: {  	v1 =	vld [tilespmem:s22+$0x10];
	v0 =	vmul.u32 $0x3, v0  }
0x33: {  	v8 =	vld [tilespmem:s20+$0x0]  }
0x34: {  	v9 =	vld [tilespmem:s21+$0xFFFFFFE0];
	v2 =	vadd.s32 v2, v0  }
0x35: {  	v10 =	vld [tilespmem:s21+$0xFFFFFFF0];
	v2 =	vmul.u32 $0x3, v2  }
0x36: {  	s25 =	simm.s32 $0xA60;
	v11 =	vld [tilespmem:s21+$0x0]  }
0x37: {  	v12 =	vld [tilespmem:s25+$0x10];
	v2 =	vadd.s32 v1, v2  }
0x38: {  	s26 =	simm.s32 $0xC60;
	v13 =	vld [tilespmem:s22+$0xFFFFFFF0]  }
0x39: {  	v14 =	vld [tilespmem:s26+$0x10]  }
0x3a: {  	v15 =	vld [tilespmem:s22+$0x0]  }
0x3b: {  	v16 =	vld [tilespmem:s25+$0xFFFFFFF0]  }
0x3c: {  	v2 =	vld.idx.msk [tilespmem:v2+s1+$0x0], $0xffff  }
0x3d: {  	v17 =	vld [tilespmem:s25+$0x0]  }
0x3e: {  	s29 =	simm.s32 $0xE60;
	v18 =	vld [tilespmem:s26+$0x0]  }
0x3f: {  	v19 =	vld [tilespmem:s29+$0xFFFFFFE0]  }
0x40: {  	s24 =	simm.s32 $0x1220;
	v20 =	vld [tilespmem:s29+$0xFFFFFFF0]  }
0x41: {  	v12 =	vmul.u32 $0x15, v12;
	[tilespmem:s24+$0x10] =	vst v2;
	v2 =	vld [tilespmem:s29+$0x10]  }
0x42: {  	s30 =	simm.s32 $0x1060;
	v21 =	vld [tilespmem:s29+$0x0]  }
0x43: {  	v22 =	vld [tilespmem:s30+$0xFFFFFFE0];
	v12 =	vadd.s32 v14, v12  }
0x44: {  	v14 =	vld [tilespmem:s30+$0x10];
	v12 =	vmul.u32 $0x3, v12  }
0x45: {  	s31 =	simm.s32 $0xAA0;
	v23 =	vld [tilespmem:s30+$0xFFFFFFF0]  }
0x46: {  	v24 =	vld [tilespmem:s31+$0x10];
	v2 =	vadd.s32 v2, v12  }
0x47: {  	s20 =	simm.s32 $0xCA0;
	v25 =	vld [tilespmem:s31+$0xFFFFFFF0];
	v2 =	vmul.u32 $0x3, v2  }
0x48: {  	v49 =	vld [tilespmem:s20+$0xFFFFFFE0]  }
0x49: {  	v53 =	vld [tilespmem:s20+$0xFFFFFFF0];
	v2 =	vadd.s32 v14, v2  }
0x4a: {  	s21 =	simm.s32 $0xEA0;
	v54 =	vld [tilespmem:s20+$0x0];
	v5 =	vmul.u32 $0x15, v5  }
0x4b: {  	v55 =	vld [tilespmem:s21+$0xFFFFFFE0];
	v3 =	vmul.u32 $0x15, v3;
	v4 =	vmul.u32 $0x15, v4  }
0x4c: {  	v5 =	vadd.s32 v6, v5;
	v6 =	vld [tilespmem:s25+$0xFFFFFFE0]  }
0x4d: {  	v3 =	vadd.s32 v7, v3;
	v4 =	vadd.s32 v8, v4;
	v8 =	vld [tilespmem:s26+$0xFFFFFFF0]  }
0x4e: {  	v5 =	vmul.u32 $0x3, v5;
	v3 =	vmul.u32 $0x3, v3;
	v4 =	vmul.u32 $0x3, v4;
	v2 =	vld.idx.msk [tilespmem:v2+s1+$0x0], $0xffff  }
0x4f: {  	v16 =	vmul.u32 $0x15, v16;
	v56 =	vmul.u32 $0x15, v25;
	v0 =	vadd.s32 v0, v1;
	v1 =	vld [tilespmem:s22+$0xFFFFFFE0]  }
0x50: {  	v57 =	vld [tilespmem:s21+$0xFFFFFFF0];
	v9 =	vadd.s32 v9, v5;
	v10 =	vadd.s32 v10, v3;
	v11 =	vadd.s32 v11, v4  }
0x51: {  	v26 =	vld [tilespmem:s21+$0x0];
	v3 =	vadd.s32 v3, v13;
	v4 =	vadd.s32 v4, v15;
	v9 =	vmul.u32 $0x3, v9  }
0x52: {  	s19 =	simm.s32 $0x1260;
	v7 =	vld [tilespmem:s26+$0xFFFFFFE0];
	v10 =	vmul.u32 $0x3, v10;
	v11 =	vmul.u32 $0x3, v11;
	v3 =	vadd.s32 $0x762, v3  }
0x53: {  	v27 =	vadd.s32 $0x762, v4;
	v8 =	vadd.s32 v8, v16;
	[tilespmem:s19+$0x10] =	vst v2;
	v2 =	vmul.u32 $0x15, v6;
	v6 =	vld [tilespmem:s20+$0x10]  }
0x54: {  	v16 =	vld [tilespmem:s21+$0x10];
	v9 =	vadd.s32 v1, v9;
	v1 =	vadd.s32 v5, v1;
	v5 =	vmul.u32 $0x15, v17  }
0x55: {  	v0 =	vadd.s32 $0x762, v0;
	v10 =	vadd.s32 v13, v10;
	v8 =	vmul.u32 $0x3, v8;
	v13 =	vld [tilespmem:s31+$0xFFFFFFE0];
	s22 =	simm.s32 $0x10A0  }
0x56: {  	v11 =	vadd.s32 v15, v11;
	v51 =	vld [tilespmem:s22+$0x10];
	v17 =	vmul.u32 $0x15, v24;
	v5 =	vadd.s32 v18, v5  }
0x57: {  	v58 =	vld [tilespmem:s22+$0xFFFFFFE0];
	v50 =	vadd.s32 v20, v8;
	v5 =	vmul.u32 $0x3, v5;
	v2 =	vadd.s32 v7, v2  }
0x58: {  	v12 =	vadd.s32 v12, v14;
	v14 =	vld [tilespmem:s30+$0x0];
	v2 =	vmul.u32 $0x3, v2;
	v6 =	vadd.s32 v6, v17  }
0x59: {  	v60 =	vld [tilespmem:s22+$0xFFFFFFF0];
	v15 =	vmul.u32 $0x3, v50;
	v52 =	vadd.s32 v21, v5;
	v6 =	vmul.u32 $0x3, v6  }
0x5a: {  	v13 =	vmul.u32 $0x15, v13;
	v18 =	vmul.u32 $0x3, v52;
	v7 =	vld [tilespmem:s31+$0x0];
	v48 =	vadd.s32 v19, v2  }
0x5b: {  	v10 =	vld.idx.msk [tilespmem:v10+s1+$0x0], $0xffff;
	v12 =	vadd.s32 $0x762, v12;
	v17 =	vmul.u32 $0x3, v48;
	v16 =	vadd.s32 v16, v6  }
0x5c: {  	v62 =	vld [tilespmem:s22+$0x0];
	v15 =	vadd.s32 v23, v15;
	v13 =	vadd.s32 v49, v13;
	v16 =	vmul.u32 $0x3, v16  }
0x5d: {  	v13 =	vmul.u32 $0x3, v13;
	v0 =	vld.idx.msk [tilespmem:v0+s1+$0x0], $0xffff;
	v18 =	vadd.s32 v14, v18;
	v17 =	vadd.s32 v22, v17  }
0x5e: {  	v9 =	vld.idx.msk [tilespmem:v9+s1+$0x0], $0xffff;
	v5 =	vadd.s32 v5, v14;
	v14 =	vadd.s32 v53, v56;
	v16 =	vadd.s32 v51, v16  }
0x5f: {  	v11 =	vld.idx.msk [tilespmem:v11+s1+$0x0], $0xffff;
	v4 =	vadd.s32 v55, v13;
	v61 =	vmul.u32 $0x3, v14;
	v7 =	vmul.u32 $0x15, v7  }
0x60: {  	v8 =	vadd.s32 v8, v23;
	v59 =	vadd.s32 $0x762, v1;
	[tilespmem:s24+$0xFFFFFFF0] =	vst v10;
	v4 =	vmul.u32 $0x3, v4;
	v12 =	vld.idx.msk [tilespmem:v12+s1+$0x0], $0xffff  }
0x61: {  	s23 =	simm.s32 $0x1420;
	v10 =	vld.idx.msk [tilespmem:v15+s1+$0x0], $0xffff;
	v15 =	vadd.s32 v61, v60;
	v2 =	vadd.s32 v2, v22;
	v1 =	vadd.s32 v54, v7  }
0x62: {  	[tilespmem:s23+$0x10] =	vst v0;
	v0 =	vadd.s32 $0x762, v2;
	v2 =	vadd.s32 v57, v61;
	v63 =	vmul.u32 $0x3, v1;
	v17 =	vld.idx.msk [tilespmem:v17+s1+$0x0], $0xffff  }
0x63: {  	[tilespmem:s24+$0xFFFFFFE0] =	vst v9;
	v14 =	vadd.s32 v6, v51;
	v6 =	vadd.s32 v58, v4;
	v7 =	vmul.u32 $0x3, v2;
	v9 =	vld.idx.msk [tilespmem:v16+s1+$0x0], $0xffff  }
0x64: {  	[tilespmem:s24+$0x0] =	vst v11;
	s24 =	simm.s32 $0x1460;
	v11 =	vld.idx.msk [tilespmem:v18+s1+$0x0], $0xffff;
	v14 =	vadd.s32 $0x762, v14;
	v1 =	vadd.s32 $0x762, v8;
	v8 =	vadd.s32 v26, v63  }
0x65: {  	[tilespmem:s24+$0x10] =	vst v12;
	v12 =	vld.idx.msk [tilespmem:v59+s1+$0x0], $0xffff;
	v2 =	vadd.s32 $0x762, v5;
	v5 =	vadd.s32 v13, v58;
	v4 =	vmul.u32 $0x3, v8  }
0x66: {  	v13 =	vld.idx.msk [tilespmem:v3+s1+$0x0], $0xffff;
	v5 =	vadd.s32 $0x762, v5;
	v7 =	vadd.s32 v60, v7;
	v16 =	vadd.s32 v63, v62  }
0x67: {  	s28 =	simm.s32 $0xAE0;
	s26 =	simm.s32 $0x8;
	s25 =	simm.s32 $0x12A0;
	v8 =	vadd.s32 v62, v4;
	v4 =	vadd.s32 $0x762, v15;
	v15 =	vld.idx.msk [tilespmem:v27+s1+$0x0], $0xffff;
	v3 =	vadd.s32 $0x762, v16;
	[tilespmem:s19+$0xFFFFFFE0] =	vst v17  }
.LBB2_2:
0x68: {  	v16 =	vld [tilespmem:s28+$0x10];
	s26 =	sadd.s32 $0x4, s26;
	[tilespmem:s25+$0x10] =	vst v9  }
0x69: {  	s20 =	sadd.s32 $0x40, s20;
	p0 =	slt.u32 s26, $0x1C;
	v9 =	vld.idx.msk [tilespmem:v14+s1+$0x0], $0xffff;
	[tilespmem:s19+$0xFFFFFFF0] =	vst v10  }
0x6a: {  	v10 =	vld [tilespmem:s20+$0x10];
	[tilespmem:s19+$0x0] =	vst v11;
	s19 =	smov.u32 s25  }
0x6b: {  	v11 =	vld [tilespmem:s28+$0xFFFFFFF0];
	[tilespmem:s23+$0xFFFFFFE0] =	vst v12  }
0x6c: {  	s21 =	sadd.s32 $0x40, s21;
	v12 =	vld [tilespmem:s28+$0x0];
	[tilespmem:s23+$0xFFFFFFF0] =	vst v13  }
0x6d: {  	v13 =	vld [tilespmem:s21+$0x10];
	v14 =	vmul.u32 $0x15, v16;
	[tilespmem:s23+$0x0] =	vst v15;
	s23 =	smov.u32 s24  }
0x6e: {  	s24 =	sadd.s32 $0x40, s24;
	v15 =	vld [tilespmem:s28+$0xFFFFFFE0]  }
0x6f: {  	s22 =	sadd.s32 $0x40, s22;
	v16 =	vld [tilespmem:s20+$0xFFFFFFE0];
	v10 =	vadd.s32 v10, v14;
	[tilespmem:s24+$0x10] =	vst v9  }
0x70: {  	v9 =	vmul.u32 $0x15, v11;
	v11 =	vld [tilespmem:s22+$0x10];
	v10 =	vmul.u32 $0x3, v10  }
0x71: {  	v14 =	vld [tilespmem:s20+$0xFFFFFFF0];
	v12 =	vmul.u32 $0x15, v12  }
0x72: {  	v17 =	vld [tilespmem:s20+$0x0];
	v13 =	vadd.s32 v13, v10  }
0x73: {  	v18 =	vld [tilespmem:s21+$0xFFFFFFE0];
	v15 =	vmul.u32 $0x15, v15;
	v13 =	vmul.u32 $0x3, v13  }
0x74: {  	v19 =	vld [tilespmem:s21+$0xFFFFFFF0]  }
0x75: {  	v15 =	vadd.s32 v16, v15;
	v16 =	vld [tilespmem:s21+$0x0];
	v13 =	vadd.s32 v11, v13  }
0x76: {  	v20 =	vld [tilespmem:s22+$0xFFFFFFE0];
	v15 =	vmul.u32 $0x3, v15;
	v9 =	vadd.s32 v14, v9  }
0x77: {  	v21 =	vld [tilespmem:s22+$0xFFFFFFF0];
	v22 =	vmul.u32 $0x3, v9;
	v9 =	vadd.s32 v17, v12  }
0x78: {  	v12 =	vadd.s32 v18, v15;
	v17 =	vld [tilespmem:s22+$0x0];
	v18 =	vmul.u32 $0x3, v9  }
0x79: {  	v12 =	vmul.u32 $0x3, v12;
	v9 =	vadd.s32 v19, v22;
	v19 =	vld.idx.msk [tilespmem:v6+s1+$0x0], $0xffff  }
0x7a: {  	v14 =	vmul.u32 $0x3, v9;
	v16 =	vadd.s32 v16, v18;
	v9 =	vld.idx.msk [tilespmem:v13+s1+$0x0], $0xffff  }
.Ltmp0:
0x7b: {  	v11 =	vadd.s32 v10, v11;
	v6 =	vadd.s32 v20, v12;
	v12 =	vmul.u32 $0x3, v16;
	v10 =	vld.idx.msk [tilespmem:v7+s1+$0x0], $0xffff;
	(pc) =	sbr.rel @p0 .LBB2_2-.Ltmp0, $4  }
0x7c: {  	v15 =	vadd.s32 v15, v20;
	v7 =	vadd.s32 v21, v14;
	v14 =	vadd.s32 $0x762, v11;
	v11 =	vld.idx.msk [tilespmem:v8+s1+$0x0], $0xffff  }
0x7d: {  	v16 =	vadd.s32 v22, v21;
	v8 =	vadd.s32 v17, v12;
	v13 =	vadd.s32 v18, v17;
	v12 =	vld.idx.msk [tilespmem:v0+s1+$0x0], $0xffff  }
0x7e: {  	v0 =	vmovc v5;
	v5 =	vadd.s32 $0x762, v15;
	v17 =	vadd.s32 $0x762, v13;
	v13 =	vld.idx.msk [tilespmem:v1+s1+$0x0], $0xffff;
	v1 =	vmovc v4;
	v4 =	vadd.s32 $0x762, v16  }
0x7f: {  	s25 =	sadd.s32 $0x40, s25;
	s28 =	sadd.s32 $0x40, s28;
	[tilespmem:s19+$0xFFFFFFE0] =	vst v19;
	v15 =	vld.idx.msk [tilespmem:v2+s1+$0x0], $0xffff;
	v2 =	vmov v3;
	v3 =	vmov v17  }
0x80: {  	_ =	sdelay $0x2  }
0x81: {  	[tilespmem:s25+$0x10] =	vst v9  }
0x82: {  	[tilespmem:s19+$0xFFFFFFF0] =	vst v10;
	v6 =	vld.idx.msk [tilespmem:v6+s1+$0x0], $0xffff  }
0x83: {  	v7 =	vld.idx.msk [tilespmem:v7+s1+$0x0], $0xffff;
	[tilespmem:s19+$0x0] =	vst v11  }
0x84: {  	v8 =	vld.idx.msk [tilespmem:v8+s1+$0x0], $0xffff;
	[tilespmem:s23+$0xFFFFFFE0] =	vst v12  }
0x85: {  	v0 =	vld.idx.msk [tilespmem:v0+s1+$0x0], $0xffff;
	[tilespmem:s23+$0xFFFFFFF0] =	vst v13  }
0x86: {  	v9 =	vld.idx.msk [tilespmem:v14+s1+$0x0], $0xffff;
	[tilespmem:s23+$0x0] =	vst v15  }
0x87: {  	v1 =	vld.idx.msk [tilespmem:v1+s1+$0x0], $0xffff;
	[tilespmem:s25+$0xFFFFFFE0] =	vst v6  }
0x88: {  	v2 =	vld.idx.msk [tilespmem:v2+s1+$0x0], $0xffff;
	[tilespmem:s25+$0xFFFFFFF0] =	vst v7  }
0x89: {  	[tilespmem:s25+$0x0] =	vst v8;
	v5 =	vld.idx.msk [tilespmem:v5+s1+$0x0], $0xffff  }
0x8a: {  	s31 =	sadd.s32 $0x40, s24;
	[tilespmem:s24+$0xFFFFFFE0] =	vst v0;
	v4 =	vld.idx.msk [tilespmem:v4+s1+$0x0], $0xffff  }
0x8b: {  	[tilespmem:s31+$0x10] =	vst v9;
	v63 =	vld.idx.msk [tilespmem:v3+s1+$0x0], $0xffff  }
0x8c: {  	[tilespmem:s24+$0xFFFFFFF0] =	vst v1  }
0x8d: {  	[tilespmem:s24+$0x0] =	vst v2  }
0x8e: {  	[tilespmem:s31+$0xFFFFFFE0] =	vst v5  }
0x8f: {  	[tilespmem:s31+$0xFFFFFFF0] =	vst v4  }
0x90: {  	[tilespmem:s31+$0x0] =	vst v63  }
0x91: {  	[hbm4b:s8+s1] =	stream.linear.scatter [tilespmem:s16], [sflag:$0x1], $0x200, $0x38;
	[tilespmem:$0x1600] =	vst v63  }
0x92: {  	s18 =	sadd.s32 $0x1, s18  }
0x93: {  	[hbm4b:s9+s1] =	stream.linear.scatter [tilespmem:s17], [sflag:$0x1], $0x200, $0x38;
	[tilespmem:$0x1600] =	vst v63  }
0x94: {  	p0 =	sne.s32 s18, s10;
	_ =	swait.ge [sflag:s15], $0x200  }
.Ltmp1:
0x95: {  	[sflag:s15] =	ssyncset.done $0x0;
	(pc) =	sbr.rel @p0 .LBB2_1-.Ltmp1, $4  }
0x96: {  	[sflag:s15] =	ssyncadd.s32 $0xFFFFFE00  }
0x97: {  	_ =	swait.ge [sflag:s15], $0x200  }
0x98: {  	[sflag:s15] =	ssyncset.done $0x0  }
0x99: {  	[sflag:s15] =	ssyncadd.s32 $0xFFFFFE00  }
0x9a: {  	_ =	sfence.sel $0x180000  }
0x9b: {  	[bflag:$0x0] =	sbarrier.arrive $0xFFFF  }
0x9c: {  	p0 =	sne.s32 s2, $0x0;
	_ =	strace $0x90000047  }
0x9d: {  	s0 =	sadd.s32 @!p0 $0x100000, s0;
	[bflag:$0x2] =	sbarrier.arrive $0xFFFF  }
0x9e: {  	[sflag:s0] =	ssyncadd.tile.s32 @!p0 $0x1;
	_ =	shalt  }
.Lfunc_end2:
_tile_overlayer_lowered:
.L_overlay_start_2:
0x9f: {  	(tag) =	ssettag $0x2  }
0xa0: {  	s0 =	rddreg [dreg:$0x0];
	s2 =	stileid.u32  }
0xa1: {  	s1 =	rddreg [dreg:$0x1];
	p0 =	sne.s32 s2, $0x0  }
0xa2: {  	s3 =	rddreg [dreg:$0x2];
	[bflag:$0x3] =	sbarrier.arrive $0xFFFF;
	s2 =	simm.s32 @!p0 $0x1C02  }
0xa3: {  	[timem:s3], [sflag:s2] =	dma.local @!p0 [hbm:s0], s1  }
0xa4: {  	s0 =	simm.s32 @!p0 $0x2  }
0xa5: {  	_ =	swait.ge @!p0 [sflag:s0], s1  }
0xa6: {  	s1 =	ssub.s32 @!p0 $0x0, s1;
	[sflag:s0] =	ssyncset.done @!p0 $0x0  }
0xa7: {  	[sflag:s0] =	ssyncadd.s32 @!p0 s1  }
0xa8: {  	[bflag:$0x3] =	sbarrier.arrive $0xFFFF  }
0xa9: {  	_ =	shalt  }

</sc_bundles>
